<compile_context>
chip_gen: v7x
topology: tpu7x:2x2x1
jax: 0.10.2.dev20260603
libtpu: 0.0.44.dev20260713+nightly
codegen_flags: <defaults>
</compile_context>

<pallas_src>
import functools

import jax
import jax.numpy as jnp
from jax import lax
from jax.experimental import pallas as pl
from jax.experimental.pallas import tpu as pltpu
from jax.experimental.pallas import tpu_sc as plsc

B, T, M = 64, 1024, 128
H = 128
D, K = 64, 1024
N = B * T
BETA = 0.25

TB = 1024
NBLK = N // TB

NW = 32
B_PER_W = N // NW
CH = 512


_DN = (((1,), (1,)), ((), ()))


def _mmbf(a, b):
    return lax.dot_general(a.astype(jnp.bfloat16), b.astype(jnp.bfloat16),
                           _DN, preferred_element_type=jnp.float32)


def _round_bf16(a):
    ai = lax.bitcast_convert_type(a, jnp.int32)
    r = ai + jnp.int32(0x7FFF) + lax.shift_right_logical(ai, 16) % 2
    r = lax.bitwise_and(r, jnp.int32(-65536))
    return lax.bitcast_convert_type(r, jnp.float32)


def _tc_body(x_ref, w1_ref, b1_ref, w2_ref, b2_ref, g_ref, bb_ref, cb_ref,
             cn_ref, z_ref, codes_ref, minsum_ref, counts_ref, perp_ref,
             cl_ref, cm_ref):
    i = pl.program_id(0)

    x = x_ref[...]
    h = _mmbf(x, w1_ref[...])
    h = h + b1_ref[...]
    h = 0.5 * h * (lax.erf(h * 0.7071067811865476) + 1.0)
    z = _mmbf(h, w2_ref[...])
    z = z + b2_ref[...]
    mu = jnp.mean(z, axis=-1, keepdims=True)
    var = jnp.mean((z - mu) ** 2, axis=-1, keepdims=True)
    z = (z - mu) / jnp.sqrt(var + 1e-5) * g_ref[...] + bb_ref[...]
    z_ref[...] = z

    row = jnp.sum(z * z, axis=-1, keepdims=True)
    s = lax.dot_general(z.astype(jnp.bfloat16),
                        cb_ref[...].astype(jnp.bfloat16),
                        (((1,), (1,)), ((), ())),
                        preferred_element_type=jnp.float32)
    dist = (row + cn_ref[...]) - 2.0 * s
    mn = jnp.min(dist, axis=-1, keepdims=True)
    iota = lax.broadcasted_iota(jnp.int32, (TB, K), 1)
    codes = jnp.min(jnp.where(dist == mn, iota, K), axis=-1,
                    keepdims=True)
    codes_ref[...] = codes
    onehot = jnp.where(iota == codes, 1.0, 0.0)
    cnt = jnp.sum(onehot, axis=0, keepdims=True)

    @pl.when(i == 0)
    def _init():
        minsum_ref[...] = jnp.zeros_like(minsum_ref)
        counts_ref[...] = jnp.zeros_like(counts_ref)

    msum = minsum_ref[...] + jnp.sum(mn).reshape(1, 1)
    ctot = counts_ref[...] + cnt
    minsum_ref[...] = msum
    counts_ref[...] = ctot

    @pl.when(i == NBLK - 1)
    def _finalize():
        avg = ctot * (1.0 / N)
        ent = -jnp.sum(avg * jnp.log(avg + 1e-10))
        perp_ref[...] = jnp.exp(ent).reshape(1, 1)
        cl = msum * (1.0 / (N * D))
        cl_ref[...] = cl
        cm_ref[...] = BETA * cl

    @pl.when(i != NBLK - 1)
    def _placeholder():
        perp_ref[...] = jnp.zeros_like(perp_ref)
        cl_ref[...] = jnp.zeros_like(cl_ref)
        cm_ref[...] = jnp.zeros_like(cm_ref)


def _tc_call(x2d, W1, b1, W2, b2, ln_g, ln_b, codebook, c_norm,
             interpret=False):
    const = lambda shape: pl.BlockSpec(shape, lambda i: (0, 0))
    return pl.pallas_call(
        _tc_body,
        grid=(NBLK,),
        in_specs=[
            pl.BlockSpec((TB, M), lambda i: (i, 0)),
            const((H, M)), const((1, H)), const((D, H)), const((1, D)),
            const((1, D)), const((1, D)), const((K, D)), const((1, K)),
        ],
        out_specs=[
            pl.BlockSpec((TB, D), lambda i: (i, 0)),
            pl.BlockSpec((TB, 1), lambda i: (i, 0)),
            const((1, 1)), const((1, K)), const((1, 1)), const((1, 1)),
            const((1, 1)),
        ],
        out_shape=[
            jax.ShapeDtypeStruct((N, D), jnp.float32),
            jax.ShapeDtypeStruct((N, 1), jnp.int32),
            jax.ShapeDtypeStruct((1, 1), jnp.float32),
            jax.ShapeDtypeStruct((1, K), jnp.float32),
            jax.ShapeDtypeStruct((1, 1), jnp.float32),
            jax.ShapeDtypeStruct((1, 1), jnp.float32),
            jax.ShapeDtypeStruct((1, 1), jnp.float32),
        ],
        interpret=interpret,
    )(x2d, W1, b1.reshape(1, H), W2, b2.reshape(1, D), ln_g.reshape(1, D),
      ln_b.reshape(1, D), codebook, c_norm)


def _sc_gather(codebook, codes_flat):
    mesh = plsc.VectorSubcoreMesh(core_axis_name="c", subcore_axis_name="s")

    @functools.partial(
        pl.kernel, mesh=mesh,
        compiler_params=pltpu.CompilerParams(use_tc_tiling_on_sc=False),
        out_type=jax.ShapeDtypeStruct((N, D), jnp.float32),
        scratch_types=[
            pltpu.VMEM((CH,), jnp.int32),
            pltpu.VMEM((CH, D), jnp.float32),
            pltpu.SemaphoreType.DMA,
        ],
    )
    def gather_k(cb_hbm, codes_hbm, out_hbm, idx_v, rows_v, sem):
        wid = lax.axis_index("s") * 2 + lax.axis_index("c")
        base = wid * B_PER_W
        for c in range(B_PER_W // CH):
            off = base + c * CH
            pltpu.sync_copy(codes_hbm.at[pl.ds(off, CH)], idx_v)
            pltpu.async_copy(cb_hbm.at[idx_v], rows_v, sem).wait()
            pltpu.sync_copy(rows_v, out_hbm.at[pl.ds(off, CH)])

    return gather_k(codebook, codes_flat)


def kernel(x, W1, b1, W2, b2, ln_g, ln_b, codebook):
    x2d = x.reshape(N, M)
    c_norm = (codebook ** 2).sum(1)[None, :]
    z_e2d, codes2d, _minsum, _counts, perp, cl, cm = _tc_call(
        x2d, W1, b1, W2, b2, ln_g, ln_b, codebook, c_norm)
    codes_flat = codes2d.reshape(N)
    z_q2d = _sc_gather(codebook, codes_flat)
    z_q_st = z_e2d + lax.stop_gradient(z_q2d - z_e2d)
    return (z_e2d.reshape(B, T, D), z_q_st.reshape(B, T, D),
            codes_flat.reshape(B, T), perp.reshape(()), cl.reshape(()),
            cm.reshape(()))

# --- scband reference (transcript-rebuilt; emitter-appended) ---
"""Pipeline reference for scband-vector-quantizer-28913719836762 (READ-ONLY COPY).

The authoritative reference and input builder live on the scoring server;
editing this copy changes nothing except your own understanding.
"""

import jax, jax.numpy as jnp
import numpy as np

B, T, M = 64, 1024, 128
H = 128
D, K = 64, 1024
BETA = 0.25


def _layernorm(z, g, b):
    mu = z.mean(-1, keepdims=True)
    var = ((z - mu) ** 2).mean(-1, keepdims=True)
    return (z - mu) / jnp.sqrt(var + 1e-5) * g + b


def setup_inputs(seed: int = 0) -> dict:
    key = jax.random.key(seed)
    ks = jax.random.split(key, 6)
    x = jax.random.normal(ks[0], (B, T, M), dtype=jnp.float32)
    W1 = jax.random.normal(ks[1], (H, M), dtype=jnp.float32) * (1.0 / np.sqrt(M))
    b1 = jnp.zeros((H,), jnp.float32)
    W2 = jax.random.normal(ks[2], (D, H), dtype=jnp.float32) * (1.0 / np.sqrt(H))
    b2 = jnp.zeros((D,), jnp.float32)
    ln_g = jnp.ones((D,), jnp.float32)
    ln_b = jnp.zeros((D,), jnp.float32)
    codebook = jax.random.uniform(ks[3], (K, D), jnp.float32, -1.0 / K, 1.0 / K)
    return {"x": x, "W1": W1, "b1": b1, "W2": W2, "b2": b2,
            "ln_g": ln_g, "ln_b": ln_b, "codebook": codebook}


def reference(x, W1, b1, W2, b2, ln_g, ln_b, codebook):
    # encoder: Linear(M,128) -> GELU(exact) -> Linear(128,D) -> LayerNorm
    h = jax.nn.gelu(x @ W1.T + b1, approximate=False)
    z_e = _layernorm(h @ W2.T + b2, ln_g, ln_b)
    # quantize
    flat = z_e.reshape(-1, D)
    dist = (flat ** 2).sum(1, keepdims=True) + (codebook ** 2).sum(1)[None, :] - 2.0 * (flat @ codebook.T)
    codes_flat = jnp.argmin(dist, axis=1)
    z_q = jnp.take(codebook, codes_flat, axis=0).reshape(B, T, D)
    one_hot = jax.nn.one_hot(codes_flat, K, dtype=jnp.float32)
    avg_probs = one_hot.mean(axis=0)
    entropy = -(avg_probs * jnp.log(avg_probs + 1e-10)).sum()
    perplexity = jnp.exp(entropy)
    codebook_loss = jnp.mean((z_q - jax.lax.stop_gradient(z_e)) ** 2)
    commitment_loss = BETA * jnp.mean((z_e - jax.lax.stop_gradient(z_q)) ** 2)
    z_q_st = z_e + jax.lax.stop_gradient(z_q - z_e)
    codes = codes_flat.reshape(B, T)
    return z_e, z_q_st, codes, perplexity, codebook_loss, commitment_loss

if __name__ == "__main__":
    import jax
    _d = setup_inputs()
    print(jax.jit(kernel)(*tuple(_d.values())))

</pallas_src>

<mosaic_0001>
#map = affine_map<(d0, d1) -> (0, 0)>
#map1 = affine_map<(d0, d1) -> (0)>
module attributes {stable_mosaic.version = 14 : i64} {
  func.func @gather_k(%arg0: i32, %arg1: i32, %arg2: memref<1024x64xf32, #tpu.memory_space<hbm>>, %arg3: memref<65536xi32, #tpu.memory_space<hbm>>, %arg4: memref<65536x64xf32, #tpu.memory_space<hbm>>, %arg5: memref<512xi32, #tpu.memory_space<vmem>>, %arg6: memref<512x64xf32, #tpu.memory_space<vmem>>, %arg7: memref<!tpu.dma_semaphore, #tpu.memory_space<semaphore_mem>>) attributes {dimension_semantics = [#tpu.dimension_semantics<core_parallel>, #tpu.dimension_semantics<subcore_parallel>], iteration_bounds = array<i64: 2, 16>, scalar_prefetch = 0 : i64, scratch_operands = 3 : i64, tpu.core_type = #tpu.core_type<sc_vector_subcore>, window_params = [{transform_indices = #map}, {transform_indices = #map1}, {transform_indices = #map}]} {
    %mul3A = arith.constant 2 : i32
    %mul3A_0 = arith.muli %arg1, %mul3A : i32
    %add3A = arith.addi %mul3A_0, %arg0 : i32
    %mul3A_1 = arith.constant 2048 : i32
    %mul3A_2 = arith.muli %add3A, %mul3A_1 : i32
    %add3A_3 = arith.constant 0 : i32
    %add3A_4 = arith.addi %mul3A_2, %add3A_3 : i32
    "tpu.region"() ({
      %run_scoped3A = tpu.sem_alloc : memref<!tpu.dma_semaphore, #tpu.memory_space<semaphore_mem>>
      %dma_start3A_33 = tpu.memref_slice %arg3[%add3A_4] : memref<65536xi32, #tpu.memory_space<hbm>> -> memref<512xi32, #tpu.memory_space<hbm>>
      %dma_start3A_34 = tpu.memref_slice %arg3[%add3A_4] : memref<65536xi32, #tpu.memory_space<hbm>> -> memref<512xi32, #tpu.memory_space<hbm>>
      tpu.enqueue_dma source(%dma_start3A_34 : memref<512xi32, #tpu.memory_space<hbm>>) target(%arg5 : memref<512xi32, #tpu.memory_space<vmem>>) target_semaphore(%run_scoped3A : memref<!tpu.dma_semaphore, #tpu.memory_space<semaphore_mem>>)
      %dma_wait3A_35 = tpu.memref_slice %arg3[%add3A_4] : memref<65536xi32, #tpu.memory_space<hbm>> -> memref<512xi32, #tpu.memory_space<hbm>>
      %dma_wait3A_36 = tpu.memref_slice %arg3[%add3A_4] : memref<65536xi32, #tpu.memory_space<hbm>> -> memref<512xi32, #tpu.memory_space<hbm>>
      tpu.wait_dma2 semaphore(%run_scoped3A : memref<!tpu.dma_semaphore, #tpu.memory_space<semaphore_mem>>) src(%dma_wait3A_36 : memref<512xi32, #tpu.memory_space<hbm>>) dst(%arg5 : memref<512xi32, #tpu.memory_space<vmem>>)
      tpu.yield
    }) : () -> ()
    %dma_start3A = arith.constant 0 : i32
    %dma_start3A_5 = arith.constant 0 : i32
    %dma_start3A_6 = tpu.memref_slice %arg2[%dma_start3A, %dma_start3A_5] : memref<1024x64xf32, #tpu.memory_space<hbm>> -> memref<1024x64xf32, #tpu.memory_space<hbm>>
    tpu.enqueue_indirect_dma source(%dma_start3A_6 : memref<1024x64xf32, #tpu.memory_space<hbm>>) target(%arg6 : memref<512x64xf32, #tpu.memory_space<vmem>>) offsets(%arg5 : memref<512xi32, #tpu.memory_space<vmem>>) semaphore(%arg7 : memref<!tpu.dma_semaphore, #tpu.memory_space<semaphore_mem>>)
    %dma_wait3A = arith.constant 0 : i32
    %dma_wait3A_7 = arith.constant 0 : i32
    %dma_wait3A_8 = tpu.memref_slice %arg2[%dma_wait3A, %dma_wait3A_7] : memref<1024x64xf32, #tpu.memory_space<hbm>> -> memref<1024x64xf32, #tpu.memory_space<hbm>>
    tpu.wait_indirect_dma semaphore(%arg7 : memref<!tpu.dma_semaphore, #tpu.memory_space<semaphore_mem>>) src(%dma_wait3A_8 : memref<1024x64xf32, #tpu.memory_space<hbm>>) dst(%arg6 : memref<512x64xf32, #tpu.memory_space<vmem>>)
    "tpu.region"() ({
      %run_scoped3A = tpu.sem_alloc : memref<!tpu.dma_semaphore, #tpu.memory_space<semaphore_mem>>
      %dma_start3A_33 = arith.constant 0 : i32
      %dma_start3A_34 = tpu.memref_slice %arg4[%add3A_4, %dma_start3A_33] : memref<65536x64xf32, #tpu.memory_space<hbm>> -> memref<512x64xf32, #tpu.memory_space<hbm>>
      %dma_start3A_35 = arith.constant 0 : i32
      %dma_start3A_36 = tpu.memref_slice %arg4[%add3A_4, %dma_start3A_35] : memref<65536x64xf32, #tpu.memory_space<hbm>> -> memref<512x64xf32, #tpu.memory_space<hbm>>
      tpu.enqueue_dma source(%arg6 : memref<512x64xf32, #tpu.memory_space<vmem>>) target(%dma_start3A_36 : memref<512x64xf32, #tpu.memory_space<hbm>>) target_semaphore(%run_scoped3A : memref<!tpu.dma_semaphore, #tpu.memory_space<semaphore_mem>>)
      %dma_wait3A_37 = arith.constant 0 : i32
      %dma_wait3A_38 = tpu.memref_slice %arg4[%add3A_4, %dma_wait3A_37] : memref<65536x64xf32, #tpu.memory_space<hbm>> -> memref<512x64xf32, #tpu.memory_space<hbm>>
      %dma_wait3A_39 = arith.constant 0 : i32
      %dma_wait3A_40 = tpu.memref_slice %arg4[%add3A_4, %dma_wait3A_39] : memref<65536x64xf32, #tpu.memory_space<hbm>> -> memref<512x64xf32, #tpu.memory_space<hbm>>
      tpu.wait_dma2 semaphore(%run_scoped3A : memref<!tpu.dma_semaphore, #tpu.memory_space<semaphore_mem>>) src(%arg6 : memref<512x64xf32, #tpu.memory_space<vmem>>) dst(%dma_wait3A_40 : memref<512x64xf32, #tpu.memory_space<hbm>>)
      tpu.yield
    }) : () -> ()
    %add3A_9 = arith.constant 512 : i32
    %add3A_10 = arith.addi %mul3A_2, %add3A_9 : i32
    "tpu.region"() ({
      %run_scoped3A = tpu.sem_alloc : memref<!tpu.dma_semaphore, #tpu.memory_space<semaphore_mem>>
      %dma_start3A_33 = tpu.memref_slice %arg3[%add3A_10] : memref<65536xi32, #tpu.memory_space<hbm>> -> memref<512xi32, #tpu.memory_space<hbm>>
      %dma_start3A_34 = tpu.memref_slice %arg3[%add3A_10] : memref<65536xi32, #tpu.memory_space<hbm>> -> memref<512xi32, #tpu.memory_space<hbm>>
      tpu.enqueue_dma source(%dma_start3A_34 : memref<512xi32, #tpu.memory_space<hbm>>) target(%arg5 : memref<512xi32, #tpu.memory_space<vmem>>) target_semaphore(%run_scoped3A : memref<!tpu.dma_semaphore, #tpu.memory_space<semaphore_mem>>)
      %dma_wait3A_35 = tpu.memref_slice %arg3[%add3A_10] : memref<65536xi32, #tpu.memory_space<hbm>> -> memref<512xi32, #tpu.memory_space<hbm>>
      %dma_wait3A_36 = tpu.memref_slice %arg3[%add3A_10] : memref<65536xi32, #tpu.memory_space<hbm>> -> memref<512xi32, #tpu.memory_space<hbm>>
      tpu.wait_dma2 semaphore(%run_scoped3A : memref<!tpu.dma_semaphore, #tpu.memory_space<semaphore_mem>>) src(%dma_wait3A_36 : memref<512xi32, #tpu.memory_space<hbm>>) dst(%arg5 : memref<512xi32, #tpu.memory_space<vmem>>)
      tpu.yield
    }) : () -> ()
    %dma_start3A_11 = arith.constant 0 : i32
    %dma_start3A_12 = arith.constant 0 : i32
    %dma_start3A_13 = tpu.memref_slice %arg2[%dma_start3A_11, %dma_start3A_12] : memref<1024x64xf32, #tpu.memory_space<hbm>> -> memref<1024x64xf32, #tpu.memory_space<hbm>>
    tpu.enqueue_indirect_dma source(%dma_start3A_13 : memref<1024x64xf32, #tpu.memory_space<hbm>>) target(%arg6 : memref<512x64xf32, #tpu.memory_space<vmem>>) offsets(%arg5 : memref<512xi32, #tpu.memory_space<vmem>>) semaphore(%arg7 : memref<!tpu.dma_semaphore, #tpu.memory_space<semaphore_mem>>)
    %dma_wait3A_14 = arith.constant 0 : i32
    %dma_wait3A_15 = arith.constant 0 : i32
    %dma_wait3A_16 = tpu.memref_slice %arg2[%dma_wait3A_14, %dma_wait3A_15] : memref<1024x64xf32, #tpu.memory_space<hbm>> -> memref<1024x64xf32, #tpu.memory_space<hbm>>
    tpu.wait_indirect_dma semaphore(%arg7 : memref<!tpu.dma_semaphore, #tpu.memory_space<semaphore_mem>>) src(%dma_wait3A_16 : memref<1024x64xf32, #tpu.memory_space<hbm>>) dst(%arg6 : memref<512x64xf32, #tpu.memory_space<vmem>>)
    "tpu.region"() ({
      %run_scoped3A = tpu.sem_alloc : memref<!tpu.dma_semaphore, #tpu.memory_space<semaphore_mem>>
      %dma_start3A_33 = arith.constant 0 : i32
      %dma_start3A_34 = tpu.memref_slice %arg4[%add3A_10, %dma_start3A_33] : memref<65536x64xf32, #tpu.memory_space<hbm>> -> memref<512x64xf32, #tpu.memory_space<hbm>>
      %dma_start3A_35 = arith.constant 0 : i32
      %dma_start3A_36 = tpu.memref_slice %arg4[%add3A_10, %dma_start3A_35] : memref<65536x64xf32, #tpu.memory_space<hbm>> -> memref<512x64xf32, #tpu.memory_space<hbm>>
      tpu.enqueue_dma source(%arg6 : memref<512x64xf32, #tpu.memory_space<vmem>>) target(%dma_start3A_36 : memref<512x64xf32, #tpu.memory_space<hbm>>) target_semaphore(%run_scoped3A : memref<!tpu.dma_semaphore, #tpu.memory_space<semaphore_mem>>)
      %dma_wait3A_37 = arith.constant 0 : i32
      %dma_wait3A_38 = tpu.memref_slice %arg4[%add3A_10, %dma_wait3A_37] : memref<65536x64xf32, #tpu.memory_space<hbm>> -> memref<512x64xf32, #tpu.memory_space<hbm>>
      %dma_wait3A_39 = arith.constant 0 : i32
      %dma_wait3A_40 = tpu.memref_slice %arg4[%add3A_10, %dma_wait3A_39] : memref<65536x64xf32, #tpu.memory_space<hbm>> -> memref<512x64xf32, #tpu.memory_space<hbm>>
      tpu.wait_dma2 semaphore(%run_scoped3A : memref<!tpu.dma_semaphore, #tpu.memory_space<semaphore_mem>>) src(%arg6 : memref<512x64xf32, #tpu.memory_space<vmem>>) dst(%dma_wait3A_40 : memref<512x64xf32, #tpu.memory_space<hbm>>)
      tpu.yield
    }) : () -> ()
    %add3A_17 = arith.constant 1024 : i32
    %add3A_18 = arith.addi %mul3A_2, %add3A_17 : i32
    "tpu.region"() ({
      %run_scoped3A = tpu.sem_alloc : memref<!tpu.dma_semaphore, #tpu.memory_space<semaphore_mem>>
      %dma_start3A_33 = tpu.memref_slice %arg3[%add3A_18] : memref<65536xi32, #tpu.memory_space<hbm>> -> memref<512xi32, #tpu.memory_space<hbm>>
      %dma_start3A_34 = tpu.memref_slice %arg3[%add3A_18] : memref<65536xi32, #tpu.memory_space<hbm>> -> memref<512xi32, #tpu.memory_space<hbm>>
      tpu.enqueue_dma source(%dma_start3A_34 : memref<512xi32, #tpu.memory_space<hbm>>) target(%arg5 : memref<512xi32, #tpu.memory_space<vmem>>) target_semaphore(%run_scoped3A : memref<!tpu.dma_semaphore, #tpu.memory_space<semaphore_mem>>)
      %dma_wait3A_35 = tpu.memref_slice %arg3[%add3A_18] : memref<65536xi32, #tpu.memory_space<hbm>> -> memref<512xi32, #tpu.memory_space<hbm>>
      %dma_wait3A_36 = tpu.memref_slice %arg3[%add3A_18] : memref<65536xi32, #tpu.memory_space<hbm>> -> memref<512xi32, #tpu.memory_space<hbm>>
      tpu.wait_dma2 semaphore(%run_scoped3A : memref<!tpu.dma_semaphore, #tpu.memory_space<semaphore_mem>>) src(%dma_wait3A_36 : memref<512xi32, #tpu.memory_space<hbm>>) dst(%arg5 : memref<512xi32, #tpu.memory_space<vmem>>)
      tpu.yield
    }) : () -> ()
    %dma_start3A_19 = arith.constant 0 : i32
    %dma_start3A_20 = arith.constant 0 : i32
    %dma_start3A_21 = tpu.memref_slice %arg2[%dma_start3A_19, %dma_start3A_20] : memref<1024x64xf32, #tpu.memory_space<hbm>> -> memref<1024x64xf32, #tpu.memory_space<hbm>>
    tpu.enqueue_indirect_dma source(%dma_start3A_21 : memref<1024x64xf32, #tpu.memory_space<hbm>>) target(%arg6 : memref<512x64xf32, #tpu.memory_space<vmem>>) offsets(%arg5 : memref<512xi32, #tpu.memory_space<vmem>>) semaphore(%arg7 : memref<!tpu.dma_semaphore, #tpu.memory_space<semaphore_mem>>)
    %dma_wait3A_22 = arith.constant 0 : i32
    %dma_wait3A_23 = arith.constant 0 : i32
    %dma_wait3A_24 = tpu.memref_slice %arg2[%dma_wait3A_22, %dma_wait3A_23] : memref<1024x64xf32, #tpu.memory_space<hbm>> -> memref<1024x64xf32, #tpu.memory_space<hbm>>
    tpu.wait_indirect_dma semaphore(%arg7 : memref<!tpu.dma_semaphore, #tpu.memory_space<semaphore_mem>>) src(%dma_wait3A_24 : memref<1024x64xf32, #tpu.memory_space<hbm>>) dst(%arg6 : memref<512x64xf32, #tpu.memory_space<vmem>>)
    "tpu.region"() ({
      %run_scoped3A = tpu.sem_alloc : memref<!tpu.dma_semaphore, #tpu.memory_space<semaphore_mem>>
      %dma_start3A_33 = arith.constant 0 : i32
      %dma_start3A_34 = tpu.memref_slice %arg4[%add3A_18, %dma_start3A_33] : memref<65536x64xf32, #tpu.memory_space<hbm>> -> memref<512x64xf32, #tpu.memory_space<hbm>>
      %dma_start3A_35 = arith.constant 0 : i32
      %dma_start3A_36 = tpu.memref_slice %arg4[%add3A_18, %dma_start3A_35] : memref<65536x64xf32, #tpu.memory_space<hbm>> -> memref<512x64xf32, #tpu.memory_space<hbm>>
      tpu.enqueue_dma source(%arg6 : memref<512x64xf32, #tpu.memory_space<vmem>>) target(%dma_start3A_36 : memref<512x64xf32, #tpu.memory_space<hbm>>) target_semaphore(%run_scoped3A : memref<!tpu.dma_semaphore, #tpu.memory_space<semaphore_mem>>)
      %dma_wait3A_37 = arith.constant 0 : i32
      %dma_wait3A_38 = tpu.memref_slice %arg4[%add3A_18, %dma_wait3A_37] : memref<65536x64xf32, #tpu.memory_space<hbm>> -> memref<512x64xf32, #tpu.memory_space<hbm>>
      %dma_wait3A_39 = arith.constant 0 : i32
      %dma_wait3A_40 = tpu.memref_slice %arg4[%add3A_18, %dma_wait3A_39] : memref<65536x64xf32, #tpu.memory_space<hbm>> -> memref<512x64xf32, #tpu.memory_space<hbm>>
      tpu.wait_dma2 semaphore(%run_scoped3A : memref<!tpu.dma_semaphore, #tpu.memory_space<semaphore_mem>>) src(%arg6 : memref<512x64xf32, #tpu.memory_space<vmem>>) dst(%dma_wait3A_40 : memref<512x64xf32, #tpu.memory_space<hbm>>)
      tpu.yield
    }) : () -> ()
    %add3A_25 = arith.constant 1536 : i32
    %add3A_26 = arith.addi %mul3A_2, %add3A_25 : i32
    "tpu.region"() ({
      %run_scoped3A = tpu.sem_alloc : memref<!tpu.dma_semaphore, #tpu.memory_space<semaphore_mem>>
      %dma_start3A_33 = tpu.memref_slice %arg3[%add3A_26] : memref<65536xi32, #tpu.memory_space<hbm>> -> memref<512xi32, #tpu.memory_space<hbm>>
      %dma_start3A_34 = tpu.memref_slice %arg3[%add3A_26] : memref<65536xi32, #tpu.memory_space<hbm>> -> memref<512xi32, #tpu.memory_space<hbm>>
      tpu.enqueue_dma source(%dma_start3A_34 : memref<512xi32, #tpu.memory_space<hbm>>) target(%arg5 : memref<512xi32, #tpu.memory_space<vmem>>) target_semaphore(%run_scoped3A : memref<!tpu.dma_semaphore, #tpu.memory_space<semaphore_mem>>)
      %dma_wait3A_35 = tpu.memref_slice %arg3[%add3A_26] : memref<65536xi32, #tpu.memory_space<hbm>> -> memref<512xi32, #tpu.memory_space<hbm>>
      %dma_wait3A_36 = tpu.memref_slice %arg3[%add3A_26] : memref<65536xi32, #tpu.memory_space<hbm>> -> memref<512xi32, #tpu.memory_space<hbm>>
      tpu.wait_dma2 semaphore(%run_scoped3A : memref<!tpu.dma_semaphore, #tpu.memory_space<semaphore_mem>>) src(%dma_wait3A_36 : memref<512xi32, #tpu.memory_space<hbm>>) dst(%arg5 : memref<512xi32, #tpu.memory_space<vmem>>)
      tpu.yield
    }) : () -> ()
    %dma_start3A_27 = arith.constant 0 : i32
    %dma_start3A_28 = arith.constant 0 : i32
    %dma_start3A_29 = tpu.memref_slice %arg2[%dma_start3A_27, %dma_start3A_28] : memref<1024x64xf32, #tpu.memory_space<hbm>> -> memref<1024x64xf32, #tpu.memory_space<hbm>>
    tpu.enqueue_indirect_dma source(%dma_start3A_29 : memref<1024x64xf32, #tpu.memory_space<hbm>>) target(%arg6 : memref<512x64xf32, #tpu.memory_space<vmem>>) offsets(%arg5 : memref<512xi32, #tpu.memory_space<vmem>>) semaphore(%arg7 : memref<!tpu.dma_semaphore, #tpu.memory_space<semaphore_mem>>)
    %dma_wait3A_30 = arith.constant 0 : i32
    %dma_wait3A_31 = arith.constant 0 : i32
    %dma_wait3A_32 = tpu.memref_slice %arg2[%dma_wait3A_30, %dma_wait3A_31] : memref<1024x64xf32, #tpu.memory_space<hbm>> -> memref<1024x64xf32, #tpu.memory_space<hbm>>
    tpu.wait_indirect_dma semaphore(%arg7 : memref<!tpu.dma_semaphore, #tpu.memory_space<semaphore_mem>>) src(%dma_wait3A_32 : memref<1024x64xf32, #tpu.memory_space<hbm>>) dst(%arg6 : memref<512x64xf32, #tpu.memory_space<vmem>>)
    "tpu.region"() ({
      %run_scoped3A = tpu.sem_alloc : memref<!tpu.dma_semaphore, #tpu.memory_space<semaphore_mem>>
      %dma_start3A_33 = arith.constant 0 : i32
      %dma_start3A_34 = tpu.memref_slice %arg4[%add3A_26, %dma_start3A_33] : memref<65536x64xf32, #tpu.memory_space<hbm>> -> memref<512x64xf32, #tpu.memory_space<hbm>>
      %dma_start3A_35 = arith.constant 0 : i32
      %dma_start3A_36 = tpu.memref_slice %arg4[%add3A_26, %dma_start3A_35] : memref<65536x64xf32, #tpu.memory_space<hbm>> -> memref<512x64xf32, #tpu.memory_space<hbm>>
      tpu.enqueue_dma source(%arg6 : memref<512x64xf32, #tpu.memory_space<vmem>>) target(%dma_start3A_36 : memref<512x64xf32, #tpu.memory_space<hbm>>) target_semaphore(%run_scoped3A : memref<!tpu.dma_semaphore, #tpu.memory_space<semaphore_mem>>)
      %dma_wait3A_37 = arith.constant 0 : i32
      %dma_wait3A_38 = tpu.memref_slice %arg4[%add3A_26, %dma_wait3A_37] : memref<65536x64xf32, #tpu.memory_space<hbm>> -> memref<512x64xf32, #tpu.memory_space<hbm>>
      %dma_wait3A_39 = arith.constant 0 : i32
      %dma_wait3A_40 = tpu.memref_slice %arg4[%add3A_26, %dma_wait3A_39] : memref<65536x64xf32, #tpu.memory_space<hbm>> -> memref<512x64xf32, #tpu.memory_space<hbm>>
      tpu.wait_dma2 semaphore(%run_scoped3A : memref<!tpu.dma_semaphore, #tpu.memory_space<semaphore_mem>>) src(%arg6 : memref<512x64xf32, #tpu.memory_space<vmem>>) dst(%dma_wait3A_40 : memref<512x64xf32, #tpu.memory_space<hbm>>)
      tpu.yield
    }) : () -> ()
    return
  }
}

module attributes {stable_mosaic.version = 14 : i64} {
  func.func @_tc_body(%arg0: i32, %arg1: memref<1024x128xf32, #tpu.memory_space<vmem>>, %arg2: memref<128x128xf32, #tpu.memory_space<vmem>>, %arg3: memref<1x128xf32, #tpu.memory_space<vmem>>, %arg4: memref<64x128xf32, #tpu.memory_space<vmem>>, %arg5: memref<1x64xf32, #tpu.memory_space<vmem>>, %arg6: memref<1x64xf32, #tpu.memory_space<vmem>>, %arg7: memref<1x64xf32, #tpu.memory_space<vmem>>, %arg8: memref<1024x64xf32, #tpu.memory_space<vmem>>, %arg9: memref<1x1024xf32, #tpu.memory_space<vmem>>, %arg10: memref<1024x64xf32, #tpu.memory_space<vmem>>, %arg11: memref<1024x1xi32, #tpu.memory_space<vmem>>, %arg12: memref<1x1xf32, #tpu.memory_space<vmem>>, %arg13: memref<1x1024xf32, #tpu.memory_space<vmem>>, %arg14: memref<1x1xf32, #tpu.memory_space<vmem>>, %arg15: memref<1x1xf32, #tpu.memory_space<vmem>>, %arg16: memref<1x1xf32, #tpu.memory_space<vmem>>) attributes {dimension_semantics = [#tpu.dimension_semantics<arbitrary>], iteration_bounds = array<i64: 64>, scalar_prefetch = 0 : i64, scratch_operands = 0 : i64, tpu.core_type = #tpu.core_type<tc>, window_params = [{transform_indices = @transform_0, window_bounds = array<i64: 1024, 128>}, {pipeline_mode = #tpu.pipeline_mode<synchronous>, transform_indices = @transform_1, window_bounds = array<i64: 128, 128>}, {pipeline_mode = #tpu.pipeline_mode<synchronous>, transform_indices = @transform_2, window_bounds = array<i64: 1, 128>}, {pipeline_mode = #tpu.pipeline_mode<synchronous>, transform_indices = @transform_3, window_bounds = array<i64: 64, 128>}, {pipeline_mode = #tpu.pipeline_mode<synchronous>, transform_indices = @transform_4, window_bounds = array<i64: 1, 64>}, {pipeline_mode = #tpu.pipeline_mode<synchronous>, transform_indices = @transform_5, window_bounds = array<i64: 1, 64>}, {pipeline_mode = #tpu.pipeline_mode<synchronous>, transform_indices = @transform_6, window_bounds = array<i64: 1, 64>}, {pipeline_mode = #tpu.pipeline_mode<synchronous>, transform_indices = @transform_7, window_bounds = array<i64: 1024, 64>}, {pipeline_mode = #tpu.pipeline_mode<synchronous>, transform_indices = @transform_8, window_bounds = array<i64: 1, 1024>}, {transform_indices = @transform_9, window_bounds = array<i64: 1024, 64>}, {transform_indices = @transform_10, window_bounds = array<i64: 1024, 1>}, {pipeline_mode = #tpu.pipeline_mode<synchronous>, transform_indices = @transform_11, window_bounds = array<i64: 1, 1>}, {pipeline_mode = #tpu.pipeline_mode<synchronous>, transform_indices = @transform_12, window_bounds = array<i64: 1, 1024>}, {pipeline_mode = #tpu.pipeline_mode<synchronous>, transform_indices = @transform_13, window_bounds = array<i64: 1, 1>}, {pipeline_mode = #tpu.pipeline_mode<synchronous>, transform_indices = @transform_14, window_bounds = array<i64: 1, 1>}, {pipeline_mode = #tpu.pipeline_mode<synchronous>, transform_indices = @transform_15, window_bounds = array<i64: 1, 1>}]} {
    %get3A = arith.constant 0 : index
    %get3A_0 = arith.constant 0 : index
    %get3A_1 = vector.load %arg1[%get3A, %get3A_0] : memref<1024x128xf32, #tpu.memory_space<vmem>>, vector<1024x128xf32>
    %get3A_2 = arith.constant 0 : index
    %get3A_3 = arith.constant 0 : index
    %get3A_4 = vector.load %arg2[%get3A_2, %get3A_3] : memref<128x128xf32, #tpu.memory_space<vmem>>, vector<128x128xf32>
    %convert_element_type3A = arith.truncf %get3A_1 : vector<1024x128xf32> to vector<1024x128xbf16>
    %convert_element_type3A_5 = arith.truncf %get3A_4 : vector<128x128xf32> to vector<128x128xbf16>
    %dot_general3A = arith.constant dense<0.000000e+00> : vector<1024x128xf32>
    %dot_general3A_6 = tpu.matmul %convert_element_type3A, %convert_element_type3A_5, %dot_general3A {dimension_numbers = #tpu.dot_dimension_numbers<[1], [1], [0], [0], [0, 0, 1, 0], [], []>, transpose_lhs_hint = false} : vector<1024x128xbf16>, vector<128x128xbf16>, vector<1024x128xf32> -> vector<1024x128xf32>
    %get3A_7 = arith.constant 0 : index
    %get3A_8 = arith.constant 0 : index
    %get3A_9 = vector.load %arg3[%get3A_7, %get3A_8] : memref<1x128xf32, #tpu.memory_space<vmem>>, vector<1x128xf32>
    %add3A = vector.broadcast %get3A_9 : vector<1x128xf32> to vector<1024x128xf32>
    %add3A_10 = arith.addf %dot_general3A_6, %add3A : vector<1024x128xf32>
    %mul3A = arith.constant 5.000000e-01 : f32
    %mul3A_11 = vector.broadcast %mul3A : f32 to vector<1024x128xf32>
    %mul3A_12 = arith.mulf %mul3A_11, %add3A_10 : vector<1024x128xf32>
    %mul3A_13 = arith.constant 0.707106769 : f32
    %mul3A_14 = vector.broadcast %mul3A_13 : f32 to vector<1024x128xf32>
    %mul3A_15 = arith.mulf %add3A_10, %mul3A_14 : vector<1024x128xf32>
    %erf3A = math.erf %mul3A_15 : vector<1024x128xf32>
    %add3A_16 = arith.constant 1.000000e+00 : f32
    %add3A_17 = vector.broadcast %add3A_16 : f32 to vector<1024x128xf32>
    %add3A_18 = arith.addf %erf3A, %add3A_17 : vector<1024x128xf32>
    %mul3A_19 = arith.mulf %mul3A_12, %add3A_18 : vector<1024x128xf32>
    %get3A_20 = arith.constant 0 : index
    %get3A_21 = arith.constant 0 : index
    %get3A_22 = vector.load %arg4[%get3A_20, %get3A_21] : memref<64x128xf32, #tpu.memory_space<vmem>>, vector<64x128xf32>
    %convert_element_type3A_23 = arith.truncf %mul3A_19 : vector<1024x128xf32> to vector<1024x128xbf16>
    %convert_element_type3A_24 = arith.truncf %get3A_22 : vector<64x128xf32> to vector<64x128xbf16>
    %dot_general3A_25 = arith.constant dense<0.000000e+00> : vector<1024x64xf32>
    %dot_general3A_26 = tpu.matmul %convert_element_type3A_23, %convert_element_type3A_24, %dot_general3A_25 {dimension_numbers = #tpu.dot_dimension_numbers<[1], [1], [0], [0], [0, 0, 1, 0], [], []>, transpose_lhs_hint = false} : vector<1024x128xbf16>, vector<64x128xbf16>, vector<1024x64xf32> -> vector<1024x64xf32>
    %get3A_27 = arith.constant 0 : index
    %get3A_28 = arith.constant 0 : index
    %get3A_29 = vector.load %arg5[%get3A_27, %get3A_28] : memref<1x64xf32, #tpu.memory_space<vmem>>, vector<1x64xf32>
    %add3A_30 = vector.broadcast %get3A_29 : vector<1x64xf32> to vector<1024x64xf32>
    %add3A_31 = arith.addf %dot_general3A_26, %add3A_30 : vector<1024x64xf32>
    %reduce_sum3A = arith.constant dense<0.000000e+00> : vector<1024xf32>
    %reduce_sum3A_32 = vector.multi_reduction <add>, %add3A_31, %reduce_sum3A [1] : vector<1024x64xf32> to vector<1024xf32>
    %broadcast_in_dim3A = vector.shape_cast %reduce_sum3A_32 : vector<1024xf32> to vector<1024x1xf32>
    %div3A = arith.constant 6.400000e+01 : f32
    %div3A_33 = vector.broadcast %div3A : f32 to vector<1024x1xf32>
    %div3A_34 = arith.divf %broadcast_in_dim3A, %div3A_33 : vector<1024x1xf32>
    %sub3A = vector.broadcast %div3A_34 : vector<1024x1xf32> to vector<1024x64xf32>
    %sub3A_35 = arith.subf %add3A_31, %sub3A : vector<1024x64xf32>
    %integer_pow3A = arith.mulf %sub3A_35, %sub3A_35 : vector<1024x64xf32>
    %reduce_sum3A_36 = arith.constant dense<0.000000e+00> : vector<1024xf32>
    %reduce_sum3A_37 = vector.multi_reduction <add>, %integer_pow3A, %reduce_sum3A_36 [1] : vector<1024x64xf32> to vector<1024xf32>
    %broadcast_in_dim3A_38 = vector.shape_cast %reduce_sum3A_37 : vector<1024xf32> to vector<1024x1xf32>
    %div3A_39 = arith.constant 6.400000e+01 : f32
    %div3A_40 = vector.broadcast %div3A_39 : f32 to vector<1024x1xf32>
    %div3A_41 = arith.divf %broadcast_in_dim3A_38, %div3A_40 : vector<1024x1xf32>
    %sub3A_42 = vector.broadcast %div3A_34 : vector<1024x1xf32> to vector<1024x64xf32>
    %sub3A_43 = arith.subf %add3A_31, %sub3A_42 : vector<1024x64xf32>
    %add3A_44 = arith.constant 9.99999974E-6 : f32
    %add3A_45 = vector.broadcast %add3A_44 : f32 to vector<1024x1xf32>
    %add3A_46 = arith.addf %div3A_41, %add3A_45 : vector<1024x1xf32>
    %sqrt3A = math.sqrt %add3A_46 : vector<1024x1xf32>
    %div3A_47 = vector.broadcast %sqrt3A : vector<1024x1xf32> to vector<1024x64xf32>
    %div3A_48 = arith.divf %sub3A_43, %div3A_47 : vector<1024x64xf32>
    %get3A_49 = arith.constant 0 : index
    %get3A_50 = arith.constant 0 : index
    %get3A_51 = vector.load %arg6[%get3A_49, %get3A_50] : memref<1x64xf32, #tpu.memory_space<vmem>>, vector<1x64xf32>
    %mul3A_52 = vector.broadcast %get3A_51 : vector<1x64xf32> to vector<1024x64xf32>
    %mul3A_53 = arith.mulf %div3A_48, %mul3A_52 : vector<1024x64xf32>
    %get3A_54 = arith.constant 0 : index
    %get3A_55 = arith.constant 0 : index
    %get3A_56 = vector.load %arg7[%get3A_54, %get3A_55] : memref<1x64xf32, #tpu.memory_space<vmem>>, vector<1x64xf32>
    %add3A_57 = vector.broadcast %get3A_56 : vector<1x64xf32> to vector<1024x64xf32>
    %add3A_58 = arith.addf %mul3A_53, %add3A_57 : vector<1024x64xf32>
    %swap3A = arith.constant 0 : index
    %swap3A_59 = arith.constant 0 : index
    %swap3A_60 = vector.load %arg10[%swap3A, %swap3A_59] : memref<1024x64xf32, #tpu.memory_space<vmem>>, vector<1024x64xf32>
    tpu.vector_store %arg10[%swap3A, %swap3A_59], %add3A_58 {strides = array<i32>} : memref<1024x64xf32, #tpu.memory_space<vmem>>, vector<1024x64xf32>,
    %mul3A_61 = arith.mulf %add3A_58, %add3A_58 : vector<1024x64xf32>
    %reduce_sum3A_62 = arith.constant dense<0.000000e+00> : vector<1024xf32>
    %reduce_sum3A_63 = vector.multi_reduction <add>, %mul3A_61, %reduce_sum3A_62 [1] : vector<1024x64xf32> to vector<1024xf32>
    %broadcast_in_dim3A_64 = vector.shape_cast %reduce_sum3A_63 : vector<1024xf32> to vector<1024x1xf32>
    %convert_element_type3A_65 = arith.truncf %add3A_58 : vector<1024x64xf32> to vector<1024x64xbf16>
    %get3A_66 = arith.constant 0 : index
    %get3A_67 = arith.constant 0 : index
    %get3A_68 = vector.load %arg8[%get3A_66, %get3A_67] : memref<1024x64xf32, #tpu.memory_space<vmem>>, vector<1024x64xf32>
    %convert_element_type3A_69 = arith.truncf %get3A_68 : vector<1024x64xf32> to vector<1024x64xbf16>
    %dot_general3A_70 = arith.constant dense<0.000000e+00> : vector<1024x1024xf32>
    %dot_general3A_71 = tpu.matmul %convert_element_type3A_65, %convert_element_type3A_69, %dot_general3A_70 {dimension_numbers = #tpu.dot_dimension_numbers<[1], [1], [0], [0], [0, 0, 1, 0], [], []>, transpose_lhs_hint = false} : vector<1024x64xbf16>, vector<1024x64xbf16>, vector<1024x1024xf32> -> vector<1024x1024xf32>
    %get3A_72 = arith.constant 0 : index
    %get3A_73 = arith.constant 0 : index
    %get3A_74 = vector.load %arg9[%get3A_72, %get3A_73] : memref<1x1024xf32, #tpu.memory_space<vmem>>, vector<1x1024xf32>
    %add3A_75 = vector.broadcast %broadcast_in_dim3A_64 : vector<1024x1xf32> to vector<1024x1024xf32>
    %add3A_76 = vector.broadcast %get3A_74 : vector<1x1024xf32> to vector<1024x1024xf32>
    %add3A_77 = arith.addf %add3A_75, %add3A_76 : vector<1024x1024xf32>
    %mul3A_78 = arith.constant 2.000000e+00 : f32
    %mul3A_79 = vector.broadcast %mul3A_78 : f32 to vector<1024x1024xf32>
    %mul3A_80 = arith.mulf %mul3A_79, %dot_general3A_71 : vector<1024x1024xf32>
    %sub3A_81 = arith.subf %add3A_77, %mul3A_80 : vector<1024x1024xf32>
    %reduce_min3A = arith.constant dense<0x7F800000> : vector<1024xf32>
    %reduce_min3A_82 = vector.multi_reduction <minimumf>, %sub3A_81, %reduce_min3A [1] : vector<1024x1024xf32> to vector<1024xf32>
    %broadcast_in_dim3A_83 = vector.shape_cast %reduce_min3A_82 : vector<1024xf32> to vector<1024x1xf32>
    %iota3A = tpu.iota {dimensions = array<i32: 1>} : vector<1024x1024xi32>
    %eq3A = vector.broadcast %broadcast_in_dim3A_83 : vector<1024x1xf32> to vector<1024x1024xf32>
    %eq3A_84 = arith.cmpf oeq, %sub3A_81, %eq3A : vector<1024x1024xf32>
    %jit3A = arith.constant 1024 : i32
    %broadcast_in_dim3A_85 = vector.broadcast %jit3A : i32 to vector<1024x1024xi32>
    %select_n3A = arith.select %eq3A_84, %iota3A, %broadcast_in_dim3A_85 : vector<1024x1024xi1>, vector<1024x1024xi32>
    %reduce_min3A_86 = arith.constant dense<2147483647> : vector<1024xi32>
    %reduce_min3A_87 = vector.multi_reduction <minsi>, %select_n3A, %reduce_min3A_86 [1] : vector<1024x1024xi32> to vector<1024xi32>
    %broadcast_in_dim3A_88 = vector.shape_cast %reduce_min3A_87 : vector<1024xi32> to vector<1024x1xi32>
    %swap3A_89 = arith.constant 0 : index
    %swap3A_90 = arith.constant 0 : index
    %swap3A_91 = vector.load %arg11[%swap3A_89, %swap3A_90] : memref<1024x1xi32, #tpu.memory_space<vmem>>, vector<1024x1xi32>
    tpu.vector_store %arg11[%swap3A_89, %swap3A_90], %broadcast_in_dim3A_88 {strides = array<i32>} : memref<1024x1xi32, #tpu.memory_space<vmem>>, vector<1024x1xi32>,
    %eq3A_92 = vector.broadcast %broadcast_in_dim3A_88 : vector<1024x1xi32> to vector<1024x1024xi32>
    %eq3A_93 = arith.cmpi eq, %iota3A, %eq3A_92 : vector<1024x1024xi32>
    %jit3A_94 = arith.constant 1.000000e+00 : f32
    %jit3A_95 = arith.constant 0.000000e+00 : f32
    %broadcast_in_dim3A_96 = vector.broadcast %jit3A_94 : f32 to vector<1024x1024xf32>
    %broadcast_in_dim3A_97 = vector.broadcast %jit3A_95 : f32 to vector<1024x1024xf32>
    %select_n3A_98 = arith.select %eq3A_93, %broadcast_in_dim3A_96, %broadcast_in_dim3A_97 : vector<1024x1024xi1>, vector<1024x1024xf32>
    %reduce_sum3A_99 = arith.constant dense<0.000000e+00> : vector<1024xf32>
    %reduce_sum3A_100 = vector.multi_reduction <add>, %select_n3A_98, %reduce_sum3A_99 [0] : vector<1024x1024xf32> to vector<1024xf32>
    %broadcast_in_dim3A_101 = vector.shape_cast %reduce_sum3A_100 : vector<1024xf32> to vector<1x1024xf32>
    %eq3A_102 = arith.constant 0 : i32
    %eq3A_103 = arith.cmpi eq, %arg0, %eq3A_102 : i32
    %convert_element_type3A_104 = arith.extui %eq3A_103 : i1 to i32
    %cond3A = arith.constant 0 : i32
    %cond3A_105 = arith.cmpi ne, %convert_element_type3A_104, %cond3A : i32
    scf.if %cond3A_105 {
      %broadcast_in_dim3A_134 = arith.constant 0.000000e+00 : f32
      %broadcast_in_dim3A_135 = vector.broadcast %broadcast_in_dim3A_134 : f32 to vector<1x1xf32>
      %swap3A_136 = arith.constant 0 : index
      %swap3A_137 = arith.constant 0 : index
      %swap3A_138 = vector.load %arg12[%swap3A_136, %swap3A_137] : memref<1x1xf32, #tpu.memory_space<vmem>>, vector<1x1xf32>
      tpu.vector_store %arg12[%swap3A_136, %swap3A_137], %broadcast_in_dim3A_135 {strides = array<i32>} : memref<1x1xf32, #tpu.memory_space<vmem>>, vector<1x1xf32>,
      %broadcast_in_dim3A_139 = arith.constant 0.000000e+00 : f32
      %broadcast_in_dim3A_140 = vector.broadcast %broadcast_in_dim3A_139 : f32 to vector<1x1024xf32>
      %swap3A_141 = arith.constant 0 : index
      %swap3A_142 = arith.constant 0 : index
      %swap3A_143 = vector.load %arg13[%swap3A_141, %swap3A_142] : memref<1x1024xf32, #tpu.memory_space<vmem>>, vector<1x1024xf32>
      tpu.vector_store %arg13[%swap3A_141, %swap3A_142], %broadcast_in_dim3A_140 {strides = array<i32>} : memref<1x1024xf32, #tpu.memory_space<vmem>>, vector<1x1024xf32>,
    } else {
    }
    %get3A_106 = arith.constant 0 : index
    %get3A_107 = arith.constant 0 : index
    %get3A_108 = vector.load %arg12[%get3A_106, %get3A_107] : memref<1x1xf32, #tpu.memory_space<vmem>>, vector<1x1xf32>
    %reduce_sum3A_109 = vector.shape_cast %broadcast_in_dim3A_83 : vector<1024x1xf32> to vector<1x1024x1xf32>
    %reduce_sum3A_110 = arith.constant dense<0.000000e+00> : vector<1xf32>
    %reduce_sum3A_111 = vector.multi_reduction <add>, %reduce_sum3A_109, %reduce_sum3A_110 [1, 2] : vector<1x1024x1xf32> to vector<1xf32>
    %reduce_sum3A_112 = vector.shape_cast %reduce_sum3A_111 : vector<1xf32> to vector<1x1x1xf32>
    %reduce_sum3A_113 = vector.extract %reduce_sum3A_112[0, 0, 0] : f32 from vector<1x1x1xf32>
    %reshape3A = vector.broadcast %reduce_sum3A_113 : f32 to vector<1x1xf32>
    %add3A_114 = arith.addf %get3A_108, %reshape3A : vector<1x1xf32>
    %get3A_115 = arith.constant 0 : index
    %get3A_116 = arith.constant 0 : index
    %get3A_117 = vector.load %arg13[%get3A_115, %get3A_116] : memref<1x1024xf32, #tpu.memory_space<vmem>>, vector<1x1024xf32>
    %add3A_118 = arith.addf %get3A_117, %broadcast_in_dim3A_101 : vector<1x1024xf32>
    %swap3A_119 = arith.constant 0 : index
    %swap3A_120 = arith.constant 0 : index
    %swap3A_121 = vector.load %arg12[%swap3A_119, %swap3A_120] : memref<1x1xf32, #tpu.memory_space<vmem>>, vector<1x1xf32>
    tpu.vector_store %arg12[%swap3A_119, %swap3A_120], %add3A_114 {strides = array<i32>} : memref<1x1xf32, #tpu.memory_space<vmem>>, vector<1x1xf32>,
    %swap3A_122 = arith.constant 0 : index
    %swap3A_123 = arith.constant 0 : index
    %swap3A_124 = vector.load %arg13[%swap3A_122, %swap3A_123] : memref<1x1024xf32, #tpu.memory_space<vmem>>, vector<1x1024xf32>
    tpu.vector_store %arg13[%swap3A_122, %swap3A_123], %add3A_118 {strides = array<i32>} : memref<1x1024xf32, #tpu.memory_space<vmem>>, vector<1x1024xf32>,
    %eq3A_125 = arith.constant 63 : i32
    %eq3A_126 = arith.cmpi eq, %arg0, %eq3A_125 : i32
    %convert_element_type3A_127 = arith.extui %eq3A_126 : i1 to i32
    %cond3A_128 = arith.constant 0 : i32
    %cond3A_129 = arith.cmpi ne, %convert_element_type3A_127, %cond3A_128 : i32
    scf.if %cond3A_129 {
      %mul3A_134 = arith.constant 1.52587891E-5 : f32
      %mul3A_135 = vector.broadcast %mul3A_134 : f32 to vector<1x1024xf32>
      %mul3A_136 = arith.mulf %add3A_118, %mul3A_135 : vector<1x1024xf32>
      %add3A_137 = arith.constant 1.000000e-10 : f32
      %add3A_138 = vector.broadcast %add3A_137 : f32 to vector<1x1024xf32>
      %add3A_139 = arith.addf %mul3A_136, %add3A_138 : vector<1x1024xf32>
      %log3A = math.log %add3A_139 : vector<1x1024xf32>
      %mul3A_140 = arith.mulf %mul3A_136, %log3A : vector<1x1024xf32>
      %reduce_sum3A_141 = vector.shape_cast %mul3A_140 : vector<1x1024xf32> to vector<1x1x1024xf32>
      %reduce_sum3A_142 = arith.constant dense<0.000000e+00> : vector<1xf32>
      %reduce_sum3A_143 = vector.multi_reduction <add>, %reduce_sum3A_141, %reduce_sum3A_142 [1, 2] : vector<1x1x1024xf32> to vector<1xf32>
      %reduce_sum3A_144 = vector.shape_cast %reduce_sum3A_143 : vector<1xf32> to vector<1x1x1xf32>
      %reduce_sum3A_145 = vector.extract %reduce_sum3A_144[0, 0, 0] : f32 from vector<1x1x1xf32>
      %neg3A = arith.constant 0.000000e+00 : f32
      %neg3A_146 = arith.subf %neg3A, %reduce_sum3A_145 : f32
      %exp3A = math.exp %neg3A_146 : f32
      %reshape3A_147 = vector.broadcast %exp3A : f32 to vector<1x1xf32>
      %swap3A_148 = arith.constant 0 : index
      %swap3A_149 = arith.constant 0 : index
      %swap3A_150 = vector.load %arg14[%swap3A_148, %swap3A_149] : memref<1x1xf32, #tpu.memory_space<vmem>>, vector<1x1xf32>
      tpu.vector_store %arg14[%swap3A_148, %swap3A_149], %reshape3A_147 {strides = array<i32>} : memref<1x1xf32, #tpu.memory_space<vmem>>, vector<1x1xf32>,
      %mul3A_151 = arith.constant 2.38418579E-7 : f32
      %mul3A_152 = vector.broadcast %mul3A_151 : f32 to vector<1x1xf32>
      %mul3A_153 = arith.mulf %add3A_114, %mul3A_152 : vector<1x1xf32>
      %swap3A_154 = arith.constant 0 : index
      %swap3A_155 = arith.constant 0 : index
      %swap3A_156 = vector.load %arg15[%swap3A_154, %swap3A_155] : memref<1x1xf32, #tpu.memory_space<vmem>>, vector<1x1xf32>
      tpu.vector_store %arg15[%swap3A_154, %swap3A_155], %mul3A_153 {strides = array<i32>} : memref<1x1xf32, #tpu.memory_space<vmem>>, vector<1x1xf32>,
      %mul3A_157 = arith.constant 2.500000e-01 : f32
      %mul3A_158 = vector.broadcast %mul3A_157 : f32 to vector<1x1xf32>
      %mul3A_159 = arith.mulf %mul3A_158, %mul3A_153 : vector<1x1xf32>
      %swap3A_160 = arith.constant 0 : index
      %swap3A_161 = arith.constant 0 : index
      %swap3A_162 = vector.load %arg16[%swap3A_160, %swap3A_161] : memref<1x1xf32, #tpu.memory_space<vmem>>, vector<1x1xf32>
      tpu.vector_store %arg16[%swap3A_160, %swap3A_161], %mul3A_159 {strides = array<i32>} : memref<1x1xf32, #tpu.memory_space<vmem>>, vector<1x1xf32>,
    } else {
    }
    %ne3A = arith.constant 63 : i32
    %ne3A_130 = arith.cmpi ne, %arg0, %ne3A : i32
    %convert_element_type3A_131 = arith.extui %ne3A_130 : i1 to i32
    %cond3A_132 = arith.constant 0 : i32
    %cond3A_133 = arith.cmpi ne, %convert_element_type3A_131, %cond3A_132 : i32
    scf.if %cond3A_133 {
      %broadcast_in_dim3A_134 = arith.constant 0.000000e+00 : f32
      %broadcast_in_dim3A_135 = vector.broadcast %broadcast_in_dim3A_134 : f32 to vector<1x1xf32>
      %swap3A_136 = arith.constant 0 : index
      %swap3A_137 = arith.constant 0 : index
      %swap3A_138 = vector.load %arg14[%swap3A_136, %swap3A_137] : memref<1x1xf32, #tpu.memory_space<vmem>>, vector<1x1xf32>
      tpu.vector_store %arg14[%swap3A_136, %swap3A_137], %broadcast_in_dim3A_135 {strides = array<i32>} : memref<1x1xf32, #tpu.memory_space<vmem>>, vector<1x1xf32>,
      %broadcast_in_dim3A_139 = arith.constant 0.000000e+00 : f32
      %broadcast_in_dim3A_140 = vector.broadcast %broadcast_in_dim3A_139 : f32 to vector<1x1xf32>
      %swap3A_141 = arith.constant 0 : index
      %swap3A_142 = arith.constant 0 : index
      %swap3A_143 = vector.load %arg15[%swap3A_141, %swap3A_142] : memref<1x1xf32, #tpu.memory_space<vmem>>, vector<1x1xf32>
      tpu.vector_store %arg15[%swap3A_141, %swap3A_142], %broadcast_in_dim3A_140 {strides = array<i32>} : memref<1x1xf32, #tpu.memory_space<vmem>>, vector<1x1xf32>,
      %broadcast_in_dim3A_144 = arith.constant 0.000000e+00 : f32
      %broadcast_in_dim3A_145 = vector.broadcast %broadcast_in_dim3A_144 : f32 to vector<1x1xf32>
      %swap3A_146 = arith.constant 0 : index
      %swap3A_147 = arith.constant 0 : index
      %swap3A_148 = vector.load %arg16[%swap3A_146, %swap3A_147] : memref<1x1xf32, #tpu.memory_space<vmem>>, vector<1x1xf32>
      tpu.vector_store %arg16[%swap3A_146, %swap3A_147], %broadcast_in_dim3A_145 {strides = array<i32>} : memref<1x1xf32, #tpu.memory_space<vmem>>, vector<1x1xf32>,
    } else {
    }
    return
  }
  func.func @transform_0(%arg0: i32) -> (i32, i32) {
    %c0_i32 = arith.constant 0 : i32
    %c0_i32_0 = arith.constant 0 : i32
    return %arg0, %c0_i32 : i32, i32
  }
  func.func @transform_1(%arg0: i32) -> (i32, i32) {
    %c0_i32 = arith.constant 0 : i32
    %c0_i32_0 = arith.constant 0 : i32
    %c0_i32_1 = arith.constant 0 : i32
    return %c0_i32, %c0_i32_0 : i32, i32
  }
  func.func @transform_2(%arg0: i32) -> (i32, i32) {
    %c0_i32 = arith.constant 0 : i32
    %c0_i32_0 = arith.constant 0 : i32
    %c0_i32_1 = arith.constant 0 : i32
    return %c0_i32, %c0_i32_0 : i32, i32
  }
  func.func @transform_3(%arg0: i32) -> (i32, i32) {
    %c0_i32 = arith.constant 0 : i32
    %c0_i32_0 = arith.constant 0 : i32
    %c0_i32_1 = arith.constant 0 : i32
    return %c0_i32, %c0_i32_0 : i32, i32
  }
  func.func @transform_4(%arg0: i32) -> (i32, i32) {
    %c0_i32 = arith.constant 0 : i32
    %c0_i32_0 = arith.constant 0 : i32
    %c0_i32_1 = arith.constant 0 : i32
    return %c0_i32, %c0_i32_0 : i32, i32
  }
  func.func @transform_5(%arg0: i32) -> (i32, i32) {
    %c0_i32 = arith.constant 0 : i32
    %c0_i32_0 = arith.constant 0 : i32
    %c0_i32_1 = arith.constant 0 : i32
    return %c0_i32, %c0_i32_0 : i32, i32
  }
  func.func @transform_6(%arg0: i32) -> (i32, i32) {
    %c0_i32 = arith.constant 0 : i32
    %c0_i32_0 = arith.constant 0 : i32
    %c0_i32_1 = arith.constant 0 : i32
    return %c0_i32, %c0_i32_0 : i32, i32
  }
  func.func @transform_7(%arg0: i32) -> (i32, i32) {
    %c0_i32 = arith.constant 0 : i32
    %c0_i32_0 = arith.constant 0 : i32
    %c0_i32_1 = arith.constant 0 : i32
    return %c0_i32, %c0_i32_0 : i32, i32
  }
  func.func @transform_8(%arg0: i32) -> (i32, i32) {
    %c0_i32 = arith.constant 0 : i32
    %c0_i32_0 = arith.constant 0 : i32
    %c0_i32_1 = arith.constant 0 : i32
    return %c0_i32, %c0_i32_0 : i32, i32
  }
  func.func @transform_9(%arg0: i32) -> (i32, i32) {
    %c0_i32 = arith.constant 0 : i32
    %c0_i32_0 = arith.constant 0 : i32
    return %arg0, %c0_i32 : i32, i32
  }
  func.func @transform_10(%arg0: i32) -> (i32, i32) {
    %c0_i32 = arith.constant 0 : i32
    %c0_i32_0 = arith.constant 0 : i32
    return %arg0, %c0_i32 : i32, i32
  }
  func.func @transform_11(%arg0: i32) -> (i32, i32) {
    %c0_i32 = arith.constant 0 : i32
    %c0_i32_0 = arith.constant 0 : i32
    %c0_i32_1 = arith.constant 0 : i32
    return %c0_i32, %c0_i32_0 : i32, i32
  }
  func.func @transform_12(%arg0: i32) -> (i32, i32) {
    %c0_i32 = arith.constant 0 : i32
    %c0_i32_0 = arith.constant 0 : i32
    %c0_i32_1 = arith.constant 0 : i32
    return %c0_i32, %c0_i32_0 : i32, i32
  }
  func.func @transform_13(%arg0: i32) -> (i32, i32) {
    %c0_i32 = arith.constant 0 : i32
    %c0_i32_0 = arith.constant 0 : i32
    %c0_i32_1 = arith.constant 0 : i32
    return %c0_i32, %c0_i32_0 : i32, i32
  }
  func.func @transform_14(%arg0: i32) -> (i32, i32) {
    %c0_i32 = arith.constant 0 : i32
    %c0_i32_0 = arith.constant 0 : i32
    %c0_i32_1 = arith.constant 0 : i32
    return %c0_i32, %c0_i32_0 : i32, i32
  }
  func.func @transform_15(%arg0: i32) -> (i32, i32) {
    %c0_i32 = arith.constant 0 : i32
    %c0_i32_0 = arith.constant 0 : i32
    %c0_i32_1 = arith.constant 0 : i32
    return %c0_i32, %c0_i32_0 : i32, i32
  }
}

</mosaic_0001>

<sc_bundles>
// kernel: kernel.4.cloned.1.call-start
scs
__scs_entry_jumppad:
0x0: {  	(pc) =	sbr.rel $0x88, $3  }
0x1: {  	(tag) =	ssettag $0x0;
	lr =	simm.s32 $0x1  }
0x2: {  	[smem:$0x3F99] =	sst lr;
	_ =	strace $0xD0000000  }
0x3: {  	_ = 	snop  }
0x4: {  	_ = 	snop  }
0x5: {  	_ = 	snop  }
0x6: {  	_ = 	snop  }
0x7: {  	_ = 	snop  }
__scs_overlays_trampoline_lowered:
0x8: {  	[smem:$0x3FA8] =	sst s0  }
0x9: {  	[smem:$0x3FA9] =	sst s1  }
0xa: {  	[smem:$0x3FAA] =	sst s2  }
0xb: {  	[smem:$0x3FAB] =	sst s3  }
0xc: {  	[smem:$0x3FAC] =	sst s4  }
0xd: {  	[smem:$0x3FAD] =	sst s5  }
0xe: {  	[smem:$0x3FAE] =	sst s6  }
0xf: {  	[smem:$0x3FAF] =	sst s7  }
0x10: {  	[smem:$0x3FB0] =	sst s8  }
0x11: {  	[smem:$0x3FB1] =	sst s9;
	s0 =	simm.s32 @!p0 $0x0  }
0x12: {  	s1 =	sld [smem:$0x3F97];
	s0 =	simm.s32 @p0 $0x1  }
0x13: {  	[smem:$0x3FB2] =	sst s0;
	s0 =	simm.s32 @!p1 $0x0  }
0x14: {  	s2 =	sld [smem:$0x3F96];
	s0 =	simm.s32 @p1 $0x1  }
0x15: {  	[smem:$0x3FB3] =	sst s0;
	s0 =	simm.s32 @!p2 $0x0  }
0x16: {  	s3 =	sld [smem:$0x3FDB];
	s0 =	simm.s32 @p2 $0x1  }
0x17: {  	s4 =	simm.s32 $0x1BF5;
	[smem:$0x3FB5] =	sst s0  }
0x18: {  	s0 =	sld [smem:$0x3F98];
	_ =	swait.ge [sflag:s4], $0x0  }
0x19: {  	s7 =	sld [smem:$0x3F99]  }
0x1a: {  	s8 =	sadd.s32 $0xFFFFE003, lr  }
0x1b: {  	s9 =	sadd.s32 $0xFFFFFEF7, lr;
	s5 =	simm.s32 $0xFFFFFFFF;
	p2 =	slt.u32 s8, $0xFFFFF086  }
0x1c: {  	p1 =	slt.u32 s9, $0xF7A;
	s5 =	simm.s32 @!p2 $0x0  }
0x1d: {  	s5 =	simm.s32 @p1 $0x1;
	p0 =	seq.s32 s7, s2  }
0x1e: {  	s7 =	smul.u32 @!p0 $0xF7A, s2;
	p2 =	seq.s32 @!p0 s5, $0x0  }
0x1f: {  	s9 =	smul.u32 $0xF7A, s1;
	s8 =	simm.s32 @!p0 $0x1BF5;
	p2 =	por !p2, p0  }
0x20: {  	[sflag:s8] =	ssyncset.s32 @!p0 $0xFFFFF086;
	s6 =	sadd.s32 @!p0 s3, s7;
	s7 =	simm.s32 @!p0 $0x108  }
0x21: {  	s3 =	sadd.s32 s3, s9;
	s6 =	sadd.s32 @!p0 $0x88, s6;
	s7 =	simm.s32 @p2 $0x1082  }
0x22: {  	[simem:s7], [sflag:s8] =	dma.local @!p0 [hbm:s6], $0xF7A  }
0x23: {  	s9 =	sor.u32 $0xD0000000, s2;
	s6 =	simm.s32 $0x108;
	_ =	swait.ge @!p0 [sflag:s8], $0x0  }
0x24: {  	s3 =	sadd.s32 $0x88, s3;
	s6 =	simm.s32 @!p1 $0x1082;
	[sflag:s4] =	ssyncset.s32 $0xFFFFF086  }
0x25: {  	[simem:s6], [sflag:s4] =	dma.local [hbm:s3], $0xF7A  }
0x26: {  	[smem:$0x3F99] =	sst s1;
	(tag) =	ssettag s2;
	_ =	strace s9  }
0x27: {  	s1 =	sld [smem:$0x3FA9]  }
0x28: {  	s2 =	sld [smem:$0x3FAA]  }
0x29: {  	s4 =	sld [smem:$0x3FAC]  }
0x2a: {  	p0 =	seq.s32 s5, $0x0;
	s5 =	sld [smem:$0x3FAD]  }
0x2b: {  	s6 =	sld [smem:$0x3FAE]  }
0x2c: {  	s7 =	sld [smem:$0x3FAF]  }
0x2d: {  	s3 =	simm.s32 $0x108;
	s8 =	sld [smem:$0x3FB0]  }
0x2e: {  	s3 =	simm.s32 @!p0 $0x1082;
	s9 =	sld [smem:$0x3FB1]  }
0x2f: {  	lr =	sadd.s32 s0, s3;
	s0 =	sld [smem:$0x3FA8]  }
0x30: {  	s3 =	sld [smem:$0x3FAB]  }
0x31: {  	[smem:$0x3FB4] =	sst s10  }
0x32: {  	s10 =	sld [smem:$0x3FB2];
	_ =	sdelay $0x3  }
0x33: {  	p0 =	seq.s32 s10, $0x1;
	s10 =	sld [smem:$0x3FB4];
	_ =	sdelay $0x3  }
0x34: {  	[smem:$0x3FB4] =	sst s10  }
0x35: {  	s10 =	sld [smem:$0x3FB3];
	_ =	sdelay $0x3  }
0x36: {  	p1 =	seq.s32 s10, $0x1;
	s10 =	sld [smem:$0x3FB4];
	_ =	sdelay $0x3  }
0x37: {  	[smem:$0x3FB4] =	sst s10  }
0x38: {  	s10 =	sld [smem:$0x3FB5]  }
0x39: {  	_ = 	snop;
	(pc) =	sbr.ind lr, $3  }
0x3a: {  	_ = 	snop  }
0x3b: {  	_ = 	snop  }
0x3c: {  	p2 =	seq.s32 s10, $0x1;
	s10 =	sld [smem:$0x3FB4]  }
0x3d: {  	_ =	shalt  }
0x3e: {  	_ =	shalt  }
0x3f: {  	_ =	shalt  }
0x40: {  	_ =	shalt  }
0x41: {  	_ =	shalt  }
0x42: {  	_ =	shalt  }
0x43: {  	_ =	shalt  }
0x44: {  	_ =	shalt  }
0x45: {  	_ =	shalt  }
0x46: {  	_ =	shalt  }
0x47: {  	_ =	shalt  }
0x48: {  	_ =	shalt  }
0x49: {  	_ =	shalt  }
0x4a: {  	_ =	shalt  }
0x4b: {  	_ =	shalt  }
0x4c: {  	_ =	shalt  }
0x4d: {  	_ =	shalt  }
0x4e: {  	_ =	shalt  }
0x4f: {  	_ =	shalt  }
0x50: {  	_ =	shalt  }
0x51: {  	_ =	shalt  }
0x52: {  	_ =	shalt  }
0x53: {  	_ =	shalt  }
0x54: {  	_ =	shalt  }
0x55: {  	_ =	shalt  }
0x56: {  	_ =	shalt  }
0x57: {  	_ =	shalt  }
0x58: {  	_ =	shalt  }
0x59: {  	_ =	shalt  }
0x5a: {  	_ =	shalt  }
0x5b: {  	_ =	shalt  }
0x5c: {  	_ =	shalt  }
0x5d: {  	_ =	shalt  }
0x5e: {  	_ =	shalt  }
0x5f: {  	_ =	shalt  }
0x60: {  	_ =	shalt  }
0x61: {  	_ =	shalt  }
0x62: {  	_ =	shalt  }
0x63: {  	_ =	shalt  }
0x64: {  	_ =	shalt  }
0x65: {  	_ =	shalt  }
0x66: {  	_ =	shalt  }
0x67: {  	_ =	shalt  }
0x68: {  	_ =	shalt  }
0x69: {  	_ =	shalt  }
0x6a: {  	_ =	shalt  }
0x6b: {  	_ =	shalt  }
0x6c: {  	_ =	shalt  }
0x6d: {  	_ =	shalt  }
0x6e: {  	_ =	shalt  }
0x6f: {  	_ =	shalt  }
0x70: {  	_ =	shalt  }
0x71: {  	_ =	shalt  }
0x72: {  	_ =	shalt  }
0x73: {  	_ =	shalt  }
0x74: {  	_ =	shalt  }
0x75: {  	_ =	shalt  }
0x76: {  	_ =	shalt  }
0x77: {  	_ =	shalt  }
0x78: {  	_ =	shalt  }
0x79: {  	_ =	shalt  }
0x7a: {  	_ =	shalt  }
0x7b: {  	_ =	shalt  }
0x7c: {  	_ =	shalt  }
0x7d: {  	_ =	shalt  }
0x7e: {  	_ =	shalt  }
0x7f: {  	_ =	shalt  }
0x80: {  	_ =	shalt  }
0x81: {  	_ =	shalt  }
0x82: {  	_ =	shalt  }
0x83: {  	_ =	shalt  }
0x84: {  	_ =	shalt  }
0x85: {  	_ =	shalt  }
0x86: {  	_ =	shalt  }
0x87: {  	_ =	shalt  }
.Lfunc_end0:
.L_simem_size_0:
called_computation_lowered:
.L_overlay_start_0:
0x88: {  	s2 =	sld [smem:$0x3FD9]  }
0x89: {  	s3 =	sld [smem:$0x3FFE];
	_ =	sdelay $0x1  }
0x8a: {  	s1 =	srdreg.scid  }
0x8b: {  	s0 =	sand.u32 $0x1, s1  }
0x8c: {  	s14 =	sshll.u32 s0, $0xA;
	s2 =	sadd.s32 s3, s2  }
0x8d: {  	s2 =	sadd.s32 s2, s14  }
0x8e: {  	[smem:$0x3FC0] =	sst s2  }
0x8f: {  	_ = 	snop  }
0x90: {  	s2 =	sld [smem:$0x3FD0];
	_ =	sdelay $0x2  }
0x91: {  	s15 =	simm.s32 $0xA;
	s4 =	simm.s32 $0x10  }
0x92: {  	[smem:s4], [sflag:s15] =	dma.local [hbm:s2], $0x1  }
0x93: {  	_ =	swait.eq [sflag:s15], $0x1  }
0x94: {  	[sflag:s15] =	ssyncset.done $0x0  }
0x95: {  	[sflag:s15] =	ssyncadd.s32 $0xFFFFFFFF  }
0x96: {  	s16 =	sld [smem:$0x11];
	(tm) =	ssettm $0x1  }
0x97: {  	s17 =	sld [smem:$0x3FFB];
	_ =	sdelay $0x3  }
0x98: {  	_ =	strace s17  }
0x99: {  	s3 =	sld [smem:$0x3FFC];
	_ =	sdelay $0x3  }
0x9a: {  	_ =	strace s3  }
0x9b: {  	s3 =	sld [smem:$0x3FFD];
	_ =	sdelay $0x3  }
0x9c: {  	_ =	strace s3  }
0x9d: {  	_ =	strace $0x8FFFFFFF  }
0x9e: {  	s18 =	sld [smem:$0x3FDB];
	_ =	sdelay $0x1  }
0x9f: {  	s19 =	simm.s32 $_scs_section_size  }
0xa0: {  	s5 =	simm.s32 $_size__tile_overlayer_lowered;
	s6 =	simm.s32 $_tile_overlayer_lowered  }
0xa1: {  	s22 =	simm.s32 $0x1BFF;
	s21 =	sshll.u32 s6, $0x1;
	s3 =	sadd.s32 s19, s18  }
0xa2: {  	s7 =	simm.s32 $0x0;
	s20 =	sshll.u32 s5, $0x1;
	s5 =	sadd.s32 s21, s3  }
0xa3: {  	[timem:s7], [sflag:s22] =	dma.local [hbm:s5], s20  }
0xa4: {  	_ =	swait.ge [sflag:s22], s20  }
0xa5: {  	s4 =	ssub.s32 $0x0, s20;
	[sflag:s22] =	ssyncset.done $0x0  }
0xa6: {  	[sflag:s22] =	ssyncadd.s32 s4;
	_ =	sdelay $0x1  }
0xa7: {  	s23 =	simm.s32 $0x1B8B  }
0xa8: {  	_ =	swait.ge [sflag:s23], $0x1  }
0xa9: {  	[sflag:s23] =	ssyncset.done $0x0  }
0xaa: {  	s25 =	simm.s32 $0x1B8E;
	s24 =	sld [smem:$0x3FFE];
	[sflag:s23] =	ssyncadd.s32 $0xFFFFFFFF  }
0xab: {  	s26 =	simm.s32 $execute0_lowered;
	[smem:$0x3FD2] =	sst s25  }
0xac: {  	s5 =	sshll.u32 s26, $0x1;
	_ =	strace $0x80000046;
	[dreg:$0x1] =	wrdreg $0xFFFFFFFF  }
0xad: {  	s28 =	simm.s32 $_size_execute0_lowered;
	s3 =	sadd.s32 s3, s5;
	[dreg:$0x0] =	wrdreg $0x0  }
0xae: {  	s5 =	sshll.u32 s28, $0x1;
	[dreg:$0x2] =	wrdreg s3  }
0xaf: {  	[dreg:$0x3] =	wrdreg s5  }
0xb0: {  	[dreg:$0x4] =	wrdreg $0xC0  }
0xb1: {  	_ =	task [dreg:s7], $0x5FFFF  }
0xb2: {  	[dreg:$0x1] =	wrdreg $0xFFFFFFFF  }
0xb3: {  	[dreg:$0x0] =	wrdreg $0x60  }
0xb4: {  	[dreg:$0x2] =	wrdreg s24  }
0xb5: {  	[dreg:$0x3] =	wrdreg s16  }
0xb6: {  	[dreg:$0x4] =	wrdreg $0x9  }
0xb7: {  	_ =	task.clear_ibuf [dreg:s7], $0x5FFFF;
	_ =	strace $0x90000046  }
0xb8: {  	s29 =	simm.s32 $0x9;
	_ =	strace $0x80000048  }
0xb9: {  	_ =	swait.ge [sflag:s29], $0x1  }
0xba: {  	[sflag:s29] =	ssyncadd.s32 $0xFFFFFFFF  }
0xbb: {  	_ =	strace $0x90000048  }
0xbc: {  	_ =	sfence  }
0xbd: {  	s30 =	sld [smem:$0x0];
	_ =	sdelay $0x2  }
0xbe: {  	s31 =	sshll.u32 s1, $0xD;
	s1 =	sshrl.u32 s1, $0x2  }
0xbf: {  	s3 =	sand.u32 $0x4000, s31;
	s1 =	sadd.s32 s1, s30  }
0xc0: {  	s0 =	sor.u32 s3, s0;
	s1 =	sshll.u32 s1, $0x11  }
0xc1: {  	s0 =	sor.u32 s1, s0  }
0xc2: {  	s0 =	sadd.s32 $0x8F2B, s0  }
0xc3: {  	[sflag:s0] =	ssyncadd.remote.s32 $0x1  }
0xc4: {  	_ =	sfence.sel $0xFFFF  }
0xc5: {  	[dreg:$0x0] =	wrdreg $0xFFFFFFFF;
	(pc) =	sbr.abs _section_cstart, $3  }
0xc6: {  	[dreg:$0x1] =	wrdreg $0xFFFFFFFF  }
0xc7: {  	_ =	task.clear_ibuf [dreg:s7], $0x2FFFF;
	_ =	strace $0x9FFFFFFF  }
0xc8: {  	(tm) =	ssettm $0x7FFFFFFF  }
0xc9: {  	_ =	shalt  }
tec
execute0_lowered:
.L_overlay_start_1:
0x0: {  	(tag) =	ssettag $0x1  }
0x1: {  	s1 =	srdreg.scid  }
0x2: {  	s5 =	rddreg [dreg:$0x0];
	s0 =	stileid.u32;
	s15 =	sand.u32 $0x1, s1  }
0x3: {  	s14 =	rddreg [dreg:$0x1];
	s3 =	sshll.u32 s0, $0xC;
	s4 =	sshll.u32 s15, $0xB  }
0x4: {  	s2 =	simm.s32 $0x0;
	s1 =	rddreg [dreg:$0x2];
	s13 =	sor.u32 s4, s3  }
0x5: {  	[smem:$0x7FF] =	sst s2;
	s16 =	sadd.s32 $0x202A00, s5;
	s3 =	sshrl.u32 s13, $0x3  }
0x6: {  	_ =	strace $0x80000047;
	s4 =	sadd.s32 s16, s3;
	s3 =	simm.s32 $0x2  }
0x7: {  	[tilespmem:s2], [sflag:$0x2] =	stream.linear.gather [hbm4b:s4+s2], $0x200, $0x38;
	[tilespmem:$0x8200] =	vst v63  }
0x8: {  	_ =	swait.ge [sflag:s3], $0x200  }
0x9: {  	s6 =	simm.s32 $0x200;
	[sflag:s3] =	ssyncset.done $0x0  }
0xa: {  	s7 =	simm.s32 $0x1;
	s5 =	sadd.s32 $0xA00, s5;
	[sflag:s3] =	ssyncadd.s32 $0xFFFFFE00  }
0xb: {  	[tilespmem:s6], [sflag:$0x1] =	stream.indirect.gather [hbm4b:s5+s6], $0x40, s2, s6, $0xb8;
	[tilespmem:$0x8200] =	vst v63  }
0xc: {  	_ =	swait.ge [sflag:s7], $0x8000  }
0xd: {  	s8 =	sshll.u32 s13, $0x3;
	[sflag:s7] =	ssyncset.done $0x0  }
0xe: {  	s8 =	sadd.s32 s14, s8;
	[sflag:s7] =	ssyncadd.s32 $0xFFFF8000  }
0xf: {  	[hbm4b:s8+s2] =	stream.linear.scatter [tilespmem:s6], [sflag:$0x2], $0x8000, $0x38;
	[tilespmem:$0x8200] =	vst v63  }
0x10: {  	s10 =	sor.u32 $0x200, s13;
	_ =	swait.ge [sflag:s3], $0x8000  }
0x11: {  	s9 =	sshrl.u32 s10, $0x3;
	[sflag:s3] =	ssyncset.done $0x0  }
0x12: {  	s9 =	sadd.s32 s16, s9;
	[sflag:s3] =	ssyncadd.s32 $0xFFFF8000  }
0x13: {  	[tilespmem:s2], [sflag:$0x2] =	stream.linear.gather [hbm4b:s9+s2], $0x200, $0x38;
	[tilespmem:$0x8200] =	vst v63  }
0x14: {  	_ =	swait.ge [sflag:s3], $0x200  }
0x15: {  	[sflag:s3] =	ssyncset.done $0x0  }
0x16: {  	[sflag:s3] =	ssyncadd.s32 $0xFFFFFE00  }
0x17: {  	[tilespmem:s6], [sflag:$0x1] =	stream.indirect.gather [hbm4b:s5+s6], $0x40, s2, s6, $0xb8;
	[tilespmem:$0x8200] =	vst v63  }
0x18: {  	_ =	swait.ge [sflag:s7], $0x8000  }
0x19: {  	s10 =	sshll.u32 s10, $0x3;
	[sflag:s7] =	ssyncset.done $0x0  }
0x1a: {  	s10 =	sadd.s32 s14, s10;
	[sflag:s7] =	ssyncadd.s32 $0xFFFF8000  }
0x1b: {  	[hbm4b:s10+s2] =	stream.linear.scatter [tilespmem:s6], [sflag:$0x2], $0x8000, $0x38;
	[tilespmem:$0x8200] =	vst v63  }
0x1c: {  	s12 =	sor.u32 $0x400, s13;
	_ =	swait.ge [sflag:s3], $0x8000  }
0x1d: {  	s11 =	sshrl.u32 s12, $0x3;
	[sflag:s3] =	ssyncset.done $0x0  }
0x1e: {  	s11 =	sadd.s32 s16, s11;
	[sflag:s3] =	ssyncadd.s32 $0xFFFF8000  }
0x1f: {  	[tilespmem:s2], [sflag:$0x2] =	stream.linear.gather [hbm4b:s11+s2], $0x200, $0x38;
	[tilespmem:$0x8200] =	vst v63  }
0x20: {  	_ =	swait.ge [sflag:s3], $0x200  }
0x21: {  	[sflag:s3] =	ssyncset.done $0x0  }
0x22: {  	[sflag:s3] =	ssyncadd.s32 $0xFFFFFE00  }
0x23: {  	[tilespmem:s6], [sflag:$0x1] =	stream.indirect.gather [hbm4b:s5+s6], $0x40, s2, s6, $0xb8;
	[tilespmem:$0x8200] =	vst v63  }
0x24: {  	_ =	swait.ge [sflag:s7], $0x8000  }
0x25: {  	s12 =	sshll.u32 s12, $0x3;
	[sflag:s7] =	ssyncset.done $0x0  }
0x26: {  	s12 =	sadd.s32 s14, s12;
	[sflag:s7] =	ssyncadd.s32 $0xFFFF8000  }
0x27: {  	[hbm4b:s12+s2] =	stream.linear.scatter [tilespmem:s6], [sflag:$0x2], $0x8000, $0x38;
	[tilespmem:$0x8200] =	vst v63  }
0x28: {  	s17 =	sor.u32 $0x600, s13;
	_ =	swait.ge [sflag:s3], $0x8000  }
0x29: {  	s13 =	sshrl.u32 s17, $0x3;
	[sflag:s3] =	ssyncset.done $0x0  }
0x2a: {  	s15 =	ssub.s32 $0x2, s15;
	s13 =	sadd.s32 s16, s13;
	[sflag:s3] =	ssyncadd.s32 $0xFFFF8000  }
0x2b: {  	[tilespmem:s2], [sflag:$0x2] =	stream.linear.gather [hbm4b:s13+s2], $0x200, $0x38;
	[tilespmem:$0x8200] =	vst v63  }
0x2c: {  	s30 =	sshrl.u32 s15, $0x1;
	_ =	swait.ge [sflag:s3], $0x200  }
0x2d: {  	s15 =	ssub.s32 s15, s30;
	[sflag:s3] =	ssyncset.done $0x0  }
0x2e: {  	s15 =	smax.u32 s15, $0x1;
	[sflag:s3] =	ssyncadd.s32 $0xFFFFFE00  }
0x2f: {  	[tilespmem:s6], [sflag:$0x1] =	stream.indirect.gather [hbm4b:s5+s6], $0x40, s2, s6, $0xb8;
	[tilespmem:$0x8200] =	vst v63  }
0x30: {  	p0 =	sne.s32 s15, $0x1;
	_ =	swait.ge [sflag:s7], $0x8000  }
.Ltmp0:
0x31: {  	s31 =	sshll.u32 s17, $0x3;
	[sflag:s7] =	ssyncset.done $0x0;
	(pc) =	sbr.rel @!p0 .LBB2_2-.Ltmp0, $4  }
0x32: {  	s14 =	sadd.s32 s14, s31;
	[sflag:s7] =	ssyncadd.s32 $0xFFFF8000  }
0x33: {  	[hbm4b:s14+s2] =	stream.linear.scatter [tilespmem:s6], [sflag:$0x2], $0x8000, $0x38;
	[tilespmem:$0x8200] =	vst v63  }
0x34: {  	_ =	swait.ge [sflag:s3], $0x8000  }
0x35: {  	s15 =	sadd.s32 $0xFFFFFFFF, s15;
	[sflag:s3] =	ssyncset.done $0x0  }
.LBB2_1:
0x36: {  	p0 =	sne.s32 s15, $0x1;
	s15 =	sadd.s32 $0xFFFFFFFF, s15;
	[sflag:s3] =	ssyncadd.s32 $0xFFFF8000  }
0x37: {  	[tilespmem:s2], [sflag:$0x2] =	stream.linear.gather [hbm4b:s4+s2], $0x200, $0x38;
	[tilespmem:$0x8200] =	vst v63  }
0x38: {  	_ =	swait.ge [sflag:s3], $0x200  }
0x39: {  	[sflag:s3] =	ssyncset.done $0x0  }
0x3a: {  	[sflag:s3] =	ssyncadd.s32 $0xFFFFFE00  }
0x3b: {  	[tilespmem:s6], [sflag:$0x1] =	stream.indirect.gather [hbm4b:s5+s6], $0x40, s2, s6, $0xb8;
	[tilespmem:$0x8200] =	vst v63  }
0x3c: {  	_ =	swait.ge [sflag:s7], $0x8000  }
0x3d: {  	[sflag:s7] =	ssyncset.done $0x0  }
0x3e: {  	[sflag:s7] =	ssyncadd.s32 $0xFFFF8000  }
0x3f: {  	[hbm4b:s8+s2] =	stream.linear.scatter [tilespmem:s6], [sflag:$0x2], $0x8000, $0x38;
	[tilespmem:$0x8200] =	vst v63  }
0x40: {  	_ =	swait.ge [sflag:s3], $0x8000  }
0x41: {  	[sflag:s3] =	ssyncset.done $0x0  }
0x42: {  	[sflag:s3] =	ssyncadd.s32 $0xFFFF8000  }
0x43: {  	[tilespmem:s2], [sflag:$0x2] =	stream.linear.gather [hbm4b:s9+s2], $0x200, $0x38;
	[tilespmem:$0x8200] =	vst v63  }
0x44: {  	_ =	swait.ge [sflag:s3], $0x200  }
0x45: {  	[sflag:s3] =	ssyncset.done $0x0  }
0x46: {  	[sflag:s3] =	ssyncadd.s32 $0xFFFFFE00  }
0x47: {  	[tilespmem:s6], [sflag:$0x1] =	stream.indirect.gather [hbm4b:s5+s6], $0x40, s2, s6, $0xb8;
	[tilespmem:$0x8200] =	vst v63  }
0x48: {  	_ =	swait.ge [sflag:s7], $0x8000  }
0x49: {  	[sflag:s7] =	ssyncset.done $0x0  }
0x4a: {  	[sflag:s7] =	ssyncadd.s32 $0xFFFF8000  }
0x4b: {  	[hbm4b:s10+s2] =	stream.linear.scatter [tilespmem:s6], [sflag:$0x2], $0x8000, $0x38;
	[tilespmem:$0x8200] =	vst v63  }
0x4c: {  	_ =	swait.ge [sflag:s3], $0x8000  }
0x4d: {  	[sflag:s3] =	ssyncset.done $0x0  }
0x4e: {  	[sflag:s3] =	ssyncadd.s32 $0xFFFF8000  }
0x4f: {  	[tilespmem:s2], [sflag:$0x2] =	stream.linear.gather [hbm4b:s11+s2], $0x200, $0x38;
	[tilespmem:$0x8200] =	vst v63  }
0x50: {  	_ =	swait.ge [sflag:s3], $0x200  }
0x51: {  	[sflag:s3] =	ssyncset.done $0x0  }
0x52: {  	[sflag:s3] =	ssyncadd.s32 $0xFFFFFE00  }
0x53: {  	[tilespmem:s6], [sflag:$0x1] =	stream.indirect.gather [hbm4b:s5+s6], $0x40, s2, s6, $0xb8;
	[tilespmem:$0x8200] =	vst v63  }
0x54: {  	_ =	swait.ge [sflag:s7], $0x8000  }
0x55: {  	[sflag:s7] =	ssyncset.done $0x0  }
0x56: {  	[sflag:s7] =	ssyncadd.s32 $0xFFFF8000  }
0x57: {  	[hbm4b:s12+s2] =	stream.linear.scatter [tilespmem:s6], [sflag:$0x2], $0x8000, $0x38;
	[tilespmem:$0x8200] =	vst v63  }
0x58: {  	_ =	swait.ge [sflag:s3], $0x8000  }
0x59: {  	[sflag:s3] =	ssyncset.done $0x0  }
0x5a: {  	[sflag:s3] =	ssyncadd.s32 $0xFFFF8000  }
0x5b: {  	[tilespmem:s2], [sflag:$0x2] =	stream.linear.gather [hbm4b:s13+s2], $0x200, $0x38;
	[tilespmem:$0x8200] =	vst v63  }
0x5c: {  	_ =	swait.ge [sflag:s3], $0x200  }
0x5d: {  	[sflag:s3] =	ssyncset.done $0x0  }
0x5e: {  	[sflag:s3] =	ssyncadd.s32 $0xFFFFFE00  }
0x5f: {  	[tilespmem:s6], [sflag:$0x1] =	stream.indirect.gather [hbm4b:s5+s6], $0x40, s2, s6, $0xb8;
	[tilespmem:$0x8200] =	vst v63  }
0x60: {  	_ =	swait.ge [sflag:s7], $0x8000  }
.Ltmp1:
0x61: {  	[sflag:s7] =	ssyncset.done $0x0;
	(pc) =	sbr.rel @p0 .LBB2_1-.Ltmp1, $4  }
0x62: {  	[sflag:s7] =	ssyncadd.s32 $0xFFFF8000  }
0x63: {  	[hbm4b:s14+s2] =	stream.linear.scatter [tilespmem:s6], [sflag:$0x2], $0x8000, $0x38;
	[tilespmem:$0x8200] =	vst v63  }
0x64: {  	_ =	swait.ge [sflag:s3], $0x8000  }
0x65: {  	[sflag:s3] =	ssyncset.done $0x0  }
.LBB2_2:
0x66: {  	[sflag:s3] =	ssyncadd.s32 $0xFFFF8000  }
0x67: {  	_ =	sfence.sel $0x180000  }
0x68: {  	[bflag:$0x0] =	sbarrier.arrive $0xFFFF  }
0x69: {  	p0 =	sne.s32 s0, $0x0;
	_ =	strace $0x90000047  }
0x6a: {  	s0 =	sadd.s32 @!p0 $0x100000, s1;
	[bflag:$0x2] =	sbarrier.arrive $0xFFFF  }
0x6b: {  	[sflag:s0] =	ssyncadd.tile.s32 @!p0 $0x1;
	_ =	shalt  }
.Lfunc_end2:
_tile_overlayer_lowered:
.L_overlay_start_2:
0x6c: {  	(tag) =	ssettag $0x2  }
0x6d: {  	s0 =	rddreg [dreg:$0x0];
	s2 =	stileid.u32  }
0x6e: {  	s1 =	rddreg [dreg:$0x1];
	p0 =	sne.s32 s2, $0x0  }
0x6f: {  	s3 =	rddreg [dreg:$0x2];
	[bflag:$0x3] =	sbarrier.arrive $0xFFFF;
	s2 =	simm.s32 @!p0 $0x1C02  }
0x70: {  	[timem:s3], [sflag:s2] =	dma.local @!p0 [hbm:s0], s1  }
0x71: {  	s0 =	simm.s32 @!p0 $0x2  }
0x72: {  	_ =	swait.ge @!p0 [sflag:s0], s1  }
0x73: {  	s1 =	ssub.s32 @!p0 $0x0, s1;
	[sflag:s0] =	ssyncset.done @!p0 $0x0  }
0x74: {  	[sflag:s0] =	ssyncadd.s32 @!p0 s1  }
0x75: {  	[bflag:$0x3] =	sbarrier.arrive $0xFFFF  }
0x76: {  	_ =	shalt  }

</sc_bundles>
